<compile_context>
chip_gen: v7x
topology: tpu7x:2x2x1
jax: 0.10.2.dev20260603
libtpu: 0.0.44.dev20260713+nightly
codegen_flags: <defaults>
</compile_context>

<pallas_src>
import functools

import numpy as np
import jax
import jax.numpy as jnp
from jax import lax
from jax.experimental import pallas as pl
from jax.experimental.pallas import tpu as pltpu
from jax.experimental.pallas import tpu_sc as plsc


@functools.lru_cache(maxsize=None)
def _make_sc_gather(V2, D2, B):
    info = plsc.get_sparse_core_info()
    NC, NS = info.num_cores, info.num_subcores
    NW = NC * NS
    assert B % NW == 0
    b_per_w = B // NW
    CH = 128 if b_per_w % 128 == 0 else b_per_w
    n_ch = b_per_w // CH
    mesh = plsc.VectorSubcoreMesh(core_axis_name="c", subcore_axis_name="s")

    @functools.partial(
        pl.kernel,
        mesh=mesh,
        out_type=jax.ShapeDtypeStruct((B, D2), jnp.float32),
        scratch_types=[
            pltpu.VMEM((b_per_w,), jnp.int32),
            pltpu.VMEM((b_per_w, D2), jnp.float32),
            pltpu.SemaphoreType.DMA,
        ],
    )
    def gather_kernel(table_hbm, idx_hbm, out_hbm, idx_v, rows_v, sem):
        wid = lax.axis_index("s") * NC + lax.axis_index("c")
        base = wid * b_per_w
        pltpu.sync_copy(idx_hbm.at[pl.ds(base, b_per_w)], idx_v)

        @pl.loop(0, b_per_w // 16)
        def _half(i):
            v = idx_v[pl.ds(i * 16, 16)]
            idx_v[pl.ds(i * 16, 16)] = lax.shift_right_arithmetic(v, 1)

        copies = []
        for j in range(n_ch):
            c = pltpu.make_async_copy(
                table_hbm.at[idx_v.at[pl.ds(j * CH, CH)]],
                rows_v.at[pl.ds(j * CH, CH)],
                sem,
            )
            c.start()
            copies.append(c)
        for c in copies:
            c.wait()
        pltpu.sync_copy(rows_v, out_hbm.at[pl.ds(base, b_per_w)])

    return gather_kernel


@functools.lru_cache(maxsize=None)
def _make_tc_select_posenc_add(B, D):
    blk = min(B, 1024)
    assert B % blk == 0
    grid = B // blk

    def body(g_ref, xc_ref, o_ref):
        pid = pl.program_id(0)
        pos = (
            lax.broadcasted_iota(jnp.int32, (blk, D), 0) + pid * blk
        ).astype(jnp.float32)
        col = lax.broadcasted_iota(jnp.int32, (blk, D), 1)
        denom = jnp.power(
            jnp.float32(10000.0), col.astype(jnp.float32) * jnp.float32(2.0 / D)
        )
        ang = pos / denom
        pe = jnp.where(col % 2 == 0, jnp.sin(ang), jnp.cos(ang))
        g = g_ref[...]
        odd = (xc_ref[...] % 2) == 1
        row = jnp.where(odd, g[:, D:], g[:, :D])
        o_ref[...] = row + pe

    return pl.pallas_call(
        body,
        grid=(grid,),
        in_specs=[
            pl.BlockSpec((blk, 2 * D), lambda i: (i, 0)),
            pl.BlockSpec((blk, 1), lambda i: (i, 0)),
        ],
        out_specs=pl.BlockSpec((blk, D), lambda i: (i, 0)),
        out_shape=jax.ShapeDtypeStruct((B, D), jnp.float32),
    )


def kernel(x, table):
    B = x.shape[0]
    V, D = table.shape
    xi = x.astype(jnp.int32)
    table2 = table.reshape(V // 2, 2 * D)
    gathered = _make_sc_gather(V // 2, 2 * D, B)(table2, xi)
    pos = jnp.arange(B, dtype=jnp.float32)[:, None]
    col = jnp.arange(D)[None, :]
    ang = pos / jnp.power(10000.0, 2.0 * col.astype(jnp.float32) / D)
    pe = jnp.where(col % 2 == 0, jnp.sin(ang), jnp.cos(ang))
    odd = (xi[:, None] & 1) == 1
    row = jnp.where(odd, gathered[:, D:], gathered[:, :D])
    return row + pe

# --- scband reference (transcript-rebuilt; emitter-appended) ---
"""Pipeline reference for scband-embedding-27676769255484 (READ-ONLY COPY).

The authoritative reference and input builder live on the scoring server;
editing this copy changes nothing except your own understanding.
"""

import jax, jax.numpy as jnp
import numpy as np

NUM_EMBEDDINGS = 1000000
EMBEDDING_DIM = 64
SEQ_LEN = 16384


def setup_inputs(seed: int = 0) -> dict:
    key = jax.random.key(seed)
    k1, k2 = jax.random.split(key)
    x = jax.random.randint(k1, (SEQ_LEN,), 0, NUM_EMBEDDINGS, dtype=jnp.int64 if jax.config.jax_enable_x64 else jnp.int32)
    table = jax.random.normal(k2, (NUM_EMBEDDINGS, EMBEDDING_DIM), dtype=jnp.float32)
    return {"x": x, "table": table}


def _pos_encoding(L: int, d: int) -> jnp.ndarray:
    # Faithful vectorization of the original double loop:
    # pos_enc[pos, i] = sin(pos / 10000**(2*i/d)) if i even else cos(pos / 10000**(2*i/d))
    pos = jnp.arange(L, dtype=jnp.float32)[:, None]
    i = jnp.arange(d, dtype=jnp.float32)[None, :]
    angle = pos / jnp.power(10000.0, 2.0 * i / float(d))
    even_mask = (jnp.arange(d)[None, :] % 2) == 0
    return jnp.where(even_mask, jnp.sin(angle), jnp.cos(angle))


def reference(x, table):
    emb = jnp.take(table, x, axis=0)  # gather: embedding lookup
    pos_enc = _pos_encoding(x.shape[0], table.shape[1])
    return emb + pos_enc

if __name__ == "__main__":
    import jax
    _d = setup_inputs()
    print(jax.jit(kernel)(*tuple(_d.values())))

</pallas_src>

<mosaic_0001>
#map = affine_map<(d0, d1) -> (0, 0)>
#map1 = affine_map<(d0, d1) -> (0)>
module attributes {stable_mosaic.version = 14 : i64} {
  func.func @gather_kernel(%arg0: i32, %arg1: i32, %arg2: memref<500000x128xf32, #tpu.memory_space<hbm>>, %arg3: memref<16384xi32, #tpu.memory_space<hbm>>, %arg4: memref<16384x128xf32, #tpu.memory_space<hbm>>, %arg5: memref<512xi32, #tpu.memory_space<vmem>>, %arg6: memref<512x128xf32, #tpu.memory_space<vmem>>, %arg7: memref<!tpu.dma_semaphore, #tpu.memory_space<semaphore_mem>>) attributes {dimension_semantics = [#tpu.dimension_semantics<core_parallel>, #tpu.dimension_semantics<subcore_parallel>], iteration_bounds = array<i64: 2, 16>, scalar_prefetch = 0 : i64, scratch_operands = 3 : i64, tpu.core_type = #tpu.core_type<sc_vector_subcore>, window_params = [{transform_indices = #map}, {transform_indices = #map1}, {transform_indices = #map}]} {
    %mul3A = arith.constant 2 : i32
    %mul3A_0 = arith.muli %arg1, %mul3A : i32
    %add3A = arith.addi %mul3A_0, %arg0 : i32
    %mul3A_1 = arith.constant 512 : i32
    %mul3A_2 = arith.muli %add3A, %mul3A_1 : i32
    "tpu.region"() ({
      %run_scoped3A = tpu.sem_alloc : memref<!tpu.dma_semaphore, #tpu.memory_space<semaphore_mem>>
      %dma_start3A_69 = tpu.memref_slice %arg3[%mul3A_2] : memref<16384xi32, #tpu.memory_space<hbm>> -> memref<512xi32, #tpu.memory_space<hbm>>
      %dma_start3A_70 = tpu.memref_slice %arg3[%mul3A_2] : memref<16384xi32, #tpu.memory_space<hbm>> -> memref<512xi32, #tpu.memory_space<hbm>>
      tpu.enqueue_dma source(%dma_start3A_70 : memref<512xi32, #tpu.memory_space<hbm>>) target(%arg5 : memref<512xi32, #tpu.memory_space<vmem>>) target_semaphore(%run_scoped3A : memref<!tpu.dma_semaphore, #tpu.memory_space<semaphore_mem>>)
      %dma_wait3A_71 = tpu.memref_slice %arg3[%mul3A_2] : memref<16384xi32, #tpu.memory_space<hbm>> -> memref<512xi32, #tpu.memory_space<hbm>>
      %dma_wait3A_72 = tpu.memref_slice %arg3[%mul3A_2] : memref<16384xi32, #tpu.memory_space<hbm>> -> memref<512xi32, #tpu.memory_space<hbm>>
      tpu.wait_dma2 semaphore(%run_scoped3A : memref<!tpu.dma_semaphore, #tpu.memory_space<semaphore_mem>>) src(%dma_wait3A_72 : memref<512xi32, #tpu.memory_space<hbm>>) dst(%arg5 : memref<512xi32, #tpu.memory_space<vmem>>)
      tpu.yield
    }) : () -> ()
    %scan3A = arith.constant 0 : i32
    %scan3A_3 = arith.constant 32 : i32
    %scan3A_4 = arith.addi %scan3A, %scan3A_3 : i32
    %scan3A_5 = arith.constant 1 : i32
    scf.for %scan3A_69 = %scan3A to %scan3A_4 step %scan3A_5  : i32 {
      %mul3A_70 = arith.constant 1 : i32
      %mul3A_71 = arith.muli %scan3A_69, %mul3A_70 : i32
      %add3A_72 = arith.constant 0 : i32
      %add3A_73 = arith.addi %add3A_72, %mul3A_71 : i32
      %mul3A_74 = arith.constant 16 : i32
      %mul3A_75 = arith.muli %add3A_73, %mul3A_74 : i32
      %get3A = arith.index_cast %mul3A_75 : i32 to index
      %get3A_76 = tpu.vector_load %arg5[%get3A] {strides = array<i32>} : memref<512xi32, #tpu.memory_space<vmem>>, vector<16xi32>,
      %get3A_77 = vector.shape_cast %get3A_76 : vector<16xi32> to vector<16xi32>
      %shift_right_arithmetic3A = arith.constant 1 : i32
      %shift_right_arithmetic3A_78 = vector.broadcast %shift_right_arithmetic3A : i32 to vector<16xi32>
      %shift_right_arithmetic3A_79 = arith.shrsi %get3A_77, %shift_right_arithmetic3A_78 : vector<16xi32>
      %mul3A_80 = arith.constant 16 : i32
      %mul3A_81 = arith.muli %add3A_73, %mul3A_80 : i32
      %swap3A = arith.index_cast %mul3A_81 : i32 to index
      %swap3A_82 = tpu.vector_load %arg5[%swap3A] {strides = array<i32>} : memref<512xi32, #tpu.memory_space<vmem>>, vector<16xi32>,
      %swap3A_83 = vector.shape_cast %swap3A_82 : vector<16xi32> to vector<16xi32>
      %swap3A_84 = vector.shape_cast %shift_right_arithmetic3A_79 : vector<16xi32> to vector<16xi32>
      tpu.vector_store %arg5[%swap3A], %swap3A_84 {strides = array<i32>} : memref<512xi32, #tpu.memory_space<vmem>>, vector<16xi32>,
    }
    %scan3A_6 = arith.constant 32 : i32
    %dma_start3A = arith.constant 0 : i32
    %dma_start3A_7 = arith.constant 0 : i32
    %dma_start3A_8 = tpu.memref_slice %arg6[%dma_start3A, %dma_start3A_7] : memref<512x128xf32, #tpu.memory_space<vmem>> -> memref<128x128xf32, #tpu.memory_space<vmem>>
    %dma_start3A_9 = arith.constant 0 : i32
    %dma_start3A_10 = tpu.memref_slice %arg5[%dma_start3A_9] : memref<512xi32, #tpu.memory_space<vmem>> -> memref<128xi32, #tpu.memory_space<vmem>>
    %dma_start3A_11 = arith.constant 0 : i32
    %dma_start3A_12 = arith.constant 0 : i32
    %dma_start3A_13 = tpu.memref_slice %arg2[%dma_start3A_11, %dma_start3A_12] : memref<500000x128xf32, #tpu.memory_space<hbm>> -> memref<500000x128xf32, #tpu.memory_space<hbm>>
    tpu.enqueue_indirect_dma source(%dma_start3A_13 : memref<500000x128xf32, #tpu.memory_space<hbm>>) target(%dma_start3A_8 : memref<128x128xf32, #tpu.memory_space<vmem>>) offsets(%dma_start3A_10 : memref<128xi32, #tpu.memory_space<vmem>>) semaphore(%arg7 : memref<!tpu.dma_semaphore, #tpu.memory_space<semaphore_mem>>)
    %dma_start3A_14 = arith.constant 128 : i32
    %dma_start3A_15 = arith.constant 0 : i32
    %dma_start3A_16 = tpu.memref_slice %arg6[%dma_start3A_14, %dma_start3A_15] : memref<512x128xf32, #tpu.memory_space<vmem>> -> memref<128x128xf32, #tpu.memory_space<vmem>>
    %dma_start3A_17 = arith.constant 128 : i32
    %dma_start3A_18 = tpu.memref_slice %arg5[%dma_start3A_17] : memref<512xi32, #tpu.memory_space<vmem>> -> memref<128xi32, #tpu.memory_space<vmem>>
    %dma_start3A_19 = arith.constant 0 : i32
    %dma_start3A_20 = arith.constant 0 : i32
    %dma_start3A_21 = tpu.memref_slice %arg2[%dma_start3A_19, %dma_start3A_20] : memref<500000x128xf32, #tpu.memory_space<hbm>> -> memref<500000x128xf32, #tpu.memory_space<hbm>>
    tpu.enqueue_indirect_dma source(%dma_start3A_21 : memref<500000x128xf32, #tpu.memory_space<hbm>>) target(%dma_start3A_16 : memref<128x128xf32, #tpu.memory_space<vmem>>) offsets(%dma_start3A_18 : memref<128xi32, #tpu.memory_space<vmem>>) semaphore(%arg7 : memref<!tpu.dma_semaphore, #tpu.memory_space<semaphore_mem>>)
    %dma_start3A_22 = arith.constant 256 : i32
    %dma_start3A_23 = arith.constant 0 : i32
    %dma_start3A_24 = tpu.memref_slice %arg6[%dma_start3A_22, %dma_start3A_23] : memref<512x128xf32, #tpu.memory_space<vmem>> -> memref<128x128xf32, #tpu.memory_space<vmem>>
    %dma_start3A_25 = arith.constant 256 : i32
    %dma_start3A_26 = tpu.memref_slice %arg5[%dma_start3A_25] : memref<512xi32, #tpu.memory_space<vmem>> -> memref<128xi32, #tpu.memory_space<vmem>>
    %dma_start3A_27 = arith.constant 0 : i32
    %dma_start3A_28 = arith.constant 0 : i32
    %dma_start3A_29 = tpu.memref_slice %arg2[%dma_start3A_27, %dma_start3A_28] : memref<500000x128xf32, #tpu.memory_space<hbm>> -> memref<500000x128xf32, #tpu.memory_space<hbm>>
    tpu.enqueue_indirect_dma source(%dma_start3A_29 : memref<500000x128xf32, #tpu.memory_space<hbm>>) target(%dma_start3A_24 : memref<128x128xf32, #tpu.memory_space<vmem>>) offsets(%dma_start3A_26 : memref<128xi32, #tpu.memory_space<vmem>>) semaphore(%arg7 : memref<!tpu.dma_semaphore, #tpu.memory_space<semaphore_mem>>)
    %dma_start3A_30 = arith.constant 384 : i32
    %dma_start3A_31 = arith.constant 0 : i32
    %dma_start3A_32 = tpu.memref_slice %arg6[%dma_start3A_30, %dma_start3A_31] : memref<512x128xf32, #tpu.memory_space<vmem>> -> memref<128x128xf32, #tpu.memory_space<vmem>>
    %dma_start3A_33 = arith.constant 384 : i32
    %dma_start3A_34 = tpu.memref_slice %arg5[%dma_start3A_33] : memref<512xi32, #tpu.memory_space<vmem>> -> memref<128xi32, #tpu.memory_space<vmem>>
    %dma_start3A_35 = arith.constant 0 : i32
    %dma_start3A_36 = arith.constant 0 : i32
    %dma_start3A_37 = tpu.memref_slice %arg2[%dma_start3A_35, %dma_start3A_36] : memref<500000x128xf32, #tpu.memory_space<hbm>> -> memref<500000x128xf32, #tpu.memory_space<hbm>>
    tpu.enqueue_indirect_dma source(%dma_start3A_37 : memref<500000x128xf32, #tpu.memory_space<hbm>>) target(%dma_start3A_32 : memref<128x128xf32, #tpu.memory_space<vmem>>) offsets(%dma_start3A_34 : memref<128xi32, #tpu.memory_space<vmem>>) semaphore(%arg7 : memref<!tpu.dma_semaphore, #tpu.memory_space<semaphore_mem>>)
    %dma_wait3A = arith.constant 0 : i32
    %dma_wait3A_38 = arith.constant 0 : i32
    %dma_wait3A_39 = tpu.memref_slice %arg6[%dma_wait3A, %dma_wait3A_38] : memref<512x128xf32, #tpu.memory_space<vmem>> -> memref<128x128xf32, #tpu.memory_space<vmem>>
    %dma_wait3A_40 = arith.constant 0 : i32
    %dma_wait3A_41 = tpu.memref_slice %arg5[%dma_wait3A_40] : memref<512xi32, #tpu.memory_space<vmem>> -> memref<128xi32, #tpu.memory_space<vmem>>
    %dma_wait3A_42 = arith.constant 0 : i32
    %dma_wait3A_43 = arith.constant 0 : i32
    %dma_wait3A_44 = tpu.memref_slice %arg2[%dma_wait3A_42, %dma_wait3A_43] : memref<500000x128xf32, #tpu.memory_space<hbm>> -> memref<500000x128xf32, #tpu.memory_space<hbm>>
    tpu.wait_indirect_dma semaphore(%arg7 : memref<!tpu.dma_semaphore, #tpu.memory_space<semaphore_mem>>) src(%dma_wait3A_44 : memref<500000x128xf32, #tpu.memory_space<hbm>>) dst(%dma_wait3A_39 : memref<128x128xf32, #tpu.memory_space<vmem>>)
    %dma_wait3A_45 = arith.constant 128 : i32
    %dma_wait3A_46 = arith.constant 0 : i32
    %dma_wait3A_47 = tpu.memref_slice %arg6[%dma_wait3A_45, %dma_wait3A_46] : memref<512x128xf32, #tpu.memory_space<vmem>> -> memref<128x128xf32, #tpu.memory_space<vmem>>
    %dma_wait3A_48 = arith.constant 128 : i32
    %dma_wait3A_49 = tpu.memref_slice %arg5[%dma_wait3A_48] : memref<512xi32, #tpu.memory_space<vmem>> -> memref<128xi32, #tpu.memory_space<vmem>>
    %dma_wait3A_50 = arith.constant 0 : i32
    %dma_wait3A_51 = arith.constant 0 : i32
    %dma_wait3A_52 = tpu.memref_slice %arg2[%dma_wait3A_50, %dma_wait3A_51] : memref<500000x128xf32, #tpu.memory_space<hbm>> -> memref<500000x128xf32, #tpu.memory_space<hbm>>
    tpu.wait_indirect_dma semaphore(%arg7 : memref<!tpu.dma_semaphore, #tpu.memory_space<semaphore_mem>>) src(%dma_wait3A_52 : memref<500000x128xf32, #tpu.memory_space<hbm>>) dst(%dma_wait3A_47 : memref<128x128xf32, #tpu.memory_space<vmem>>)
    %dma_wait3A_53 = arith.constant 256 : i32
    %dma_wait3A_54 = arith.constant 0 : i32
    %dma_wait3A_55 = tpu.memref_slice %arg6[%dma_wait3A_53, %dma_wait3A_54] : memref<512x128xf32, #tpu.memory_space<vmem>> -> memref<128x128xf32, #tpu.memory_space<vmem>>
    %dma_wait3A_56 = arith.constant 256 : i32
    %dma_wait3A_57 = tpu.memref_slice %arg5[%dma_wait3A_56] : memref<512xi32, #tpu.memory_space<vmem>> -> memref<128xi32, #tpu.memory_space<vmem>>
    %dma_wait3A_58 = arith.constant 0 : i32
    %dma_wait3A_59 = arith.constant 0 : i32
    %dma_wait3A_60 = tpu.memref_slice %arg2[%dma_wait3A_58, %dma_wait3A_59] : memref<500000x128xf32, #tpu.memory_space<hbm>> -> memref<500000x128xf32, #tpu.memory_space<hbm>>
    tpu.wait_indirect_dma semaphore(%arg7 : memref<!tpu.dma_semaphore, #tpu.memory_space<semaphore_mem>>) src(%dma_wait3A_60 : memref<500000x128xf32, #tpu.memory_space<hbm>>) dst(%dma_wait3A_55 : memref<128x128xf32, #tpu.memory_space<vmem>>)
    %dma_wait3A_61 = arith.constant 384 : i32
    %dma_wait3A_62 = arith.constant 0 : i32
    %dma_wait3A_63 = tpu.memref_slice %arg6[%dma_wait3A_61, %dma_wait3A_62] : memref<512x128xf32, #tpu.memory_space<vmem>> -> memref<128x128xf32, #tpu.memory_space<vmem>>
    %dma_wait3A_64 = arith.constant 384 : i32
    %dma_wait3A_65 = tpu.memref_slice %arg5[%dma_wait3A_64] : memref<512xi32, #tpu.memory_space<vmem>> -> memref<128xi32, #tpu.memory_space<vmem>>
    %dma_wait3A_66 = arith.constant 0 : i32
    %dma_wait3A_67 = arith.constant 0 : i32
    %dma_wait3A_68 = tpu.memref_slice %arg2[%dma_wait3A_66, %dma_wait3A_67] : memref<500000x128xf32, #tpu.memory_space<hbm>> -> memref<500000x128xf32, #tpu.memory_space<hbm>>
    tpu.wait_indirect_dma semaphore(%arg7 : memref<!tpu.dma_semaphore, #tpu.memory_space<semaphore_mem>>) src(%dma_wait3A_68 : memref<500000x128xf32, #tpu.memory_space<hbm>>) dst(%dma_wait3A_63 : memref<128x128xf32, #tpu.memory_space<vmem>>)
    "tpu.region"() ({
      %run_scoped3A = tpu.sem_alloc : memref<!tpu.dma_semaphore, #tpu.memory_space<semaphore_mem>>
      %dma_start3A_69 = arith.constant 0 : i32
      %dma_start3A_70 = tpu.memref_slice %arg4[%mul3A_2, %dma_start3A_69] : memref<16384x128xf32, #tpu.memory_space<hbm>> -> memref<512x128xf32, #tpu.memory_space<hbm>>
      %dma_start3A_71 = arith.constant 0 : i32
      %dma_start3A_72 = tpu.memref_slice %arg4[%mul3A_2, %dma_start3A_71] : memref<16384x128xf32, #tpu.memory_space<hbm>> -> memref<512x128xf32, #tpu.memory_space<hbm>>
      tpu.enqueue_dma source(%arg6 : memref<512x128xf32, #tpu.memory_space<vmem>>) target(%dma_start3A_72 : memref<512x128xf32, #tpu.memory_space<hbm>>) target_semaphore(%run_scoped3A : memref<!tpu.dma_semaphore, #tpu.memory_space<semaphore_mem>>)
      %dma_wait3A_73 = arith.constant 0 : i32
      %dma_wait3A_74 = tpu.memref_slice %arg4[%mul3A_2, %dma_wait3A_73] : memref<16384x128xf32, #tpu.memory_space<hbm>> -> memref<512x128xf32, #tpu.memory_space<hbm>>
      %dma_wait3A_75 = arith.constant 0 : i32
      %dma_wait3A_76 = tpu.memref_slice %arg4[%mul3A_2, %dma_wait3A_75] : memref<16384x128xf32, #tpu.memory_space<hbm>> -> memref<512x128xf32, #tpu.memory_space<hbm>>
      tpu.wait_dma2 semaphore(%run_scoped3A : memref<!tpu.dma_semaphore, #tpu.memory_space<semaphore_mem>>) src(%arg6 : memref<512x128xf32, #tpu.memory_space<vmem>>) dst(%dma_wait3A_76 : memref<512x128xf32, #tpu.memory_space<hbm>>)
      tpu.yield
    }) : () -> ()
    return
  }
}

</mosaic_0001>

<sc_bundles>
// kernel: kernel.3.cloned.1.call-start
scs
__scs_entry_jumppad:
0x0: {  	(pc) =	sbr.rel $0x88, $3  }
0x1: {  	(tag) =	ssettag $0x0;
	lr =	simm.s32 $0x1  }
0x2: {  	[smem:$0x3F9F] =	sst lr;
	_ =	strace $0xD0000000  }
0x3: {  	_ = 	snop  }
0x4: {  	_ = 	snop  }
0x5: {  	_ = 	snop  }
0x6: {  	_ = 	snop  }
0x7: {  	_ = 	snop  }
__scs_overlays_trampoline_lowered:
0x8: {  	[smem:$0x3FAE] =	sst s0  }
0x9: {  	[smem:$0x3FAF] =	sst s1  }
0xa: {  	[smem:$0x3FB0] =	sst s2  }
0xb: {  	[smem:$0x3FB1] =	sst s3  }
0xc: {  	[smem:$0x3FB2] =	sst s4  }
0xd: {  	[smem:$0x3FB3] =	sst s5  }
0xe: {  	[smem:$0x3FB4] =	sst s6  }
0xf: {  	[smem:$0x3FB5] =	sst s7  }
0x10: {  	[smem:$0x3FB6] =	sst s8  }
0x11: {  	[smem:$0x3FB7] =	sst s9;
	s0 =	simm.s32 @!p0 $0x0  }
0x12: {  	s1 =	sld [smem:$0x3F9D];
	s0 =	simm.s32 @p0 $0x1  }
0x13: {  	[smem:$0x3FB8] =	sst s0;
	s0 =	simm.s32 @!p1 $0x0  }
0x14: {  	s2 =	sld [smem:$0x3F9C];
	s0 =	simm.s32 @p1 $0x1  }
0x15: {  	[smem:$0x3FB9] =	sst s0;
	s0 =	simm.s32 @!p2 $0x0  }
0x16: {  	s3 =	sld [smem:$0x3FDB];
	s0 =	simm.s32 @p2 $0x1  }
0x17: {  	s4 =	simm.s32 $0x1BF5;
	[smem:$0x3FBB] =	sst s0  }
0x18: {  	s0 =	sld [smem:$0x3F9E];
	_ =	swait.ge [sflag:s4], $0x0  }
0x19: {  	s7 =	sld [smem:$0x3F9F]  }
0x1a: {  	s8 =	sadd.s32 $0xFFFFE003, lr  }
0x1b: {  	s9 =	sadd.s32 $0xFFFFFEF7, lr;
	s5 =	simm.s32 $0xFFFFFFFF;
	p2 =	slt.u32 s8, $0xFFFFF086  }
0x1c: {  	p1 =	slt.u32 s9, $0xF7A;
	s5 =	simm.s32 @!p2 $0x0  }
0x1d: {  	s5 =	simm.s32 @p1 $0x1;
	p0 =	seq.s32 s7, s2  }
0x1e: {  	s7 =	smul.u32 @!p0 $0xF7A, s2;
	p2 =	seq.s32 @!p0 s5, $0x0  }
0x1f: {  	s9 =	smul.u32 $0xF7A, s1;
	s8 =	simm.s32 @!p0 $0x1BF5;
	p2 =	por !p2, p0  }
0x20: {  	[sflag:s8] =	ssyncset.s32 @!p0 $0xFFFFF086;
	s6 =	sadd.s32 @!p0 s3, s7;
	s7 =	simm.s32 @!p0 $0x108  }
0x21: {  	s3 =	sadd.s32 s3, s9;
	s6 =	sadd.s32 @!p0 $0x88, s6;
	s7 =	simm.s32 @p2 $0x1082  }
0x22: {  	[simem:s7], [sflag:s8] =	dma.local @!p0 [hbm:s6], $0xF7A  }
0x23: {  	s9 =	sor.u32 $0xD0000000, s2;
	s6 =	simm.s32 $0x108;
	_ =	swait.ge @!p0 [sflag:s8], $0x0  }
0x24: {  	s3 =	sadd.s32 $0x88, s3;
	s6 =	simm.s32 @!p1 $0x1082;
	[sflag:s4] =	ssyncset.s32 $0xFFFFF086  }
0x25: {  	[simem:s6], [sflag:s4] =	dma.local [hbm:s3], $0xF7A  }
0x26: {  	[smem:$0x3F9F] =	sst s1;
	(tag) =	ssettag s2;
	_ =	strace s9  }
0x27: {  	s1 =	sld [smem:$0x3FAF]  }
0x28: {  	s2 =	sld [smem:$0x3FB0]  }
0x29: {  	s4 =	sld [smem:$0x3FB2]  }
0x2a: {  	p0 =	seq.s32 s5, $0x0;
	s5 =	sld [smem:$0x3FB3]  }
0x2b: {  	s6 =	sld [smem:$0x3FB4]  }
0x2c: {  	s7 =	sld [smem:$0x3FB5]  }
0x2d: {  	s3 =	simm.s32 $0x108;
	s8 =	sld [smem:$0x3FB6]  }
0x2e: {  	s3 =	simm.s32 @!p0 $0x1082;
	s9 =	sld [smem:$0x3FB7]  }
0x2f: {  	lr =	sadd.s32 s0, s3;
	s0 =	sld [smem:$0x3FAE]  }
0x30: {  	s3 =	sld [smem:$0x3FB1]  }
0x31: {  	[smem:$0x3FBA] =	sst s10  }
0x32: {  	s10 =	sld [smem:$0x3FB8];
	_ =	sdelay $0x3  }
0x33: {  	p0 =	seq.s32 s10, $0x1;
	s10 =	sld [smem:$0x3FBA];
	_ =	sdelay $0x3  }
0x34: {  	[smem:$0x3FBA] =	sst s10  }
0x35: {  	s10 =	sld [smem:$0x3FB9];
	_ =	sdelay $0x3  }
0x36: {  	p1 =	seq.s32 s10, $0x1;
	s10 =	sld [smem:$0x3FBA];
	_ =	sdelay $0x3  }
0x37: {  	[smem:$0x3FBA] =	sst s10  }
0x38: {  	s10 =	sld [smem:$0x3FBB]  }
0x39: {  	_ = 	snop;
	(pc) =	sbr.ind lr, $3  }
0x3a: {  	_ = 	snop  }
0x3b: {  	_ = 	snop  }
0x3c: {  	p2 =	seq.s32 s10, $0x1;
	s10 =	sld [smem:$0x3FBA]  }
0x3d: {  	_ =	shalt  }
0x3e: {  	_ =	shalt  }
0x3f: {  	_ =	shalt  }
0x40: {  	_ =	shalt  }
0x41: {  	_ =	shalt  }
0x42: {  	_ =	shalt  }
0x43: {  	_ =	shalt  }
0x44: {  	_ =	shalt  }
0x45: {  	_ =	shalt  }
0x46: {  	_ =	shalt  }
0x47: {  	_ =	shalt  }
0x48: {  	_ =	shalt  }
0x49: {  	_ =	shalt  }
0x4a: {  	_ =	shalt  }
0x4b: {  	_ =	shalt  }
0x4c: {  	_ =	shalt  }
0x4d: {  	_ =	shalt  }
0x4e: {  	_ =	shalt  }
0x4f: {  	_ =	shalt  }
0x50: {  	_ =	shalt  }
0x51: {  	_ =	shalt  }
0x52: {  	_ =	shalt  }
0x53: {  	_ =	shalt  }
0x54: {  	_ =	shalt  }
0x55: {  	_ =	shalt  }
0x56: {  	_ =	shalt  }
0x57: {  	_ =	shalt  }
0x58: {  	_ =	shalt  }
0x59: {  	_ =	shalt  }
0x5a: {  	_ =	shalt  }
0x5b: {  	_ =	shalt  }
0x5c: {  	_ =	shalt  }
0x5d: {  	_ =	shalt  }
0x5e: {  	_ =	shalt  }
0x5f: {  	_ =	shalt  }
0x60: {  	_ =	shalt  }
0x61: {  	_ =	shalt  }
0x62: {  	_ =	shalt  }
0x63: {  	_ =	shalt  }
0x64: {  	_ =	shalt  }
0x65: {  	_ =	shalt  }
0x66: {  	_ =	shalt  }
0x67: {  	_ =	shalt  }
0x68: {  	_ =	shalt  }
0x69: {  	_ =	shalt  }
0x6a: {  	_ =	shalt  }
0x6b: {  	_ =	shalt  }
0x6c: {  	_ =	shalt  }
0x6d: {  	_ =	shalt  }
0x6e: {  	_ =	shalt  }
0x6f: {  	_ =	shalt  }
0x70: {  	_ =	shalt  }
0x71: {  	_ =	shalt  }
0x72: {  	_ =	shalt  }
0x73: {  	_ =	shalt  }
0x74: {  	_ =	shalt  }
0x75: {  	_ =	shalt  }
0x76: {  	_ =	shalt  }
0x77: {  	_ =	shalt  }
0x78: {  	_ =	shalt  }
0x79: {  	_ =	shalt  }
0x7a: {  	_ =	shalt  }
0x7b: {  	_ =	shalt  }
0x7c: {  	_ =	shalt  }
0x7d: {  	_ =	shalt  }
0x7e: {  	_ =	shalt  }
0x7f: {  	_ =	shalt  }
0x80: {  	_ =	shalt  }
0x81: {  	_ =	shalt  }
0x82: {  	_ =	shalt  }
0x83: {  	_ =	shalt  }
0x84: {  	_ =	shalt  }
0x85: {  	_ =	shalt  }
0x86: {  	_ =	shalt  }
0x87: {  	_ =	shalt  }
.Lfunc_end0:
.L_simem_size_0:
called_computation_lowered:
.L_overlay_start_0:
0x88: {  	s2 =	sld [smem:$0x3FD9]  }
0x89: {  	s3 =	sld [smem:$0x3FFE];
	_ =	sdelay $0x1  }
0x8a: {  	s1 =	srdreg.scid  }
0x8b: {  	s0 =	sand.u32 $0x1, s1  }
0x8c: {  	s17 =	sshll.u32 s0, $0xA;
	s2 =	sadd.s32 s3, s2  }
0x8d: {  	s2 =	sadd.s32 s2, s17  }
0x8e: {  	[smem:$0x3FC6] =	sst s2  }
0x8f: {  	_ = 	snop  }
0x90: {  	s2 =	sld [smem:$0x3FC9];
	(tm) =	ssettm $0x1  }
0x91: {  	s18 =	sld [smem:$0x3FFB];
	_ =	sdelay $0x3  }
0x92: {  	_ =	strace s18  }
0x93: {  	s3 =	sld [smem:$0x3FFC];
	_ =	sdelay $0x3  }
0x94: {  	_ =	strace s3  }
0x95: {  	s3 =	sld [smem:$0x3FFD];
	_ =	sdelay $0x3  }
0x96: {  	_ =	strace s3  }
0x97: {  	_ =	strace $0x8FFFFFFF  }
0x98: {  	s19 =	sld [smem:$0x3FDB];
	_ =	sdelay $0x1  }
0x99: {  	s4 =	simm.s32 $_scs_section_size  }
0x9a: {  	s5 =	simm.s32 $_size__tile_overlayer_lowered;
	s6 =	simm.s32 $_tile_overlayer_lowered  }
0x9b: {  	s22 =	simm.s32 $0x1BFF;
	s21 =	sshll.u32 s6, $0x1;
	s3 =	sadd.s32 s4, s19  }
0x9c: {  	s7 =	simm.s32 $0x0;
	s20 =	sshll.u32 s5, $0x1;
	s5 =	sadd.s32 s21, s3  }
0x9d: {  	[timem:s7], [sflag:s22] =	dma.local [hbm:s5], s20  }
0x9e: {  	_ =	swait.ge [sflag:s22], s20  }
0x9f: {  	s4 =	ssub.s32 $0x0, s20;
	[sflag:s22] =	ssyncset.done $0x0  }
0xa0: {  	[sflag:s22] =	ssyncadd.s32 s4;
	_ =	sdelay $0x1  }
0xa1: {  	s23 =	simm.s32 $0x1B8B  }
0xa2: {  	_ =	swait.ge [sflag:s23], $0x1  }
0xa3: {  	[sflag:s23] =	ssyncset.done $0x0  }
0xa4: {  	s25 =	simm.s32 $0x1B8E;
	s24 =	sld [smem:$0x3FFE];
	[sflag:s23] =	ssyncadd.s32 $0xFFFFFFFF  }
0xa5: {  	s26 =	simm.s32 $execute0_lowered;
	[smem:$0x3FD2] =	sst s25  }
0xa6: {  	s5 =	sshll.u32 s26, $0x1;
	_ =	strace $0x80000046;
	[dreg:$0x1] =	wrdreg $0xFFFFFFFF  }
0xa7: {  	s28 =	simm.s32 $_size_execute0_lowered;
	s3 =	sadd.s32 s3, s5;
	[dreg:$0x0] =	wrdreg $0x0  }
0xa8: {  	s5 =	sshll.u32 s28, $0x1;
	[dreg:$0x2] =	wrdreg s3  }
0xa9: {  	[dreg:$0x3] =	wrdreg s5  }
0xaa: {  	[dreg:$0x4] =	wrdreg $0xC0  }
0xab: {  	_ =	task [dreg:s7], $0x5FFFF  }
0xac: {  	[dreg:$0x1] =	wrdreg $0xFFFFFFFF  }
0xad: {  	[dreg:$0x0] =	wrdreg $0x60  }
0xae: {  	[dreg:$0x2] =	wrdreg s24  }
0xaf: {  	[dreg:$0x3] =	wrdreg s2  }
0xb0: {  	[dreg:$0x4] =	wrdreg $0x9  }
0xb1: {  	_ =	task.clear_ibuf [dreg:s7], $0x5FFFF;
	_ =	strace $0x90000046  }
0xb2: {  	s29 =	simm.s32 $0x9;
	_ =	strace $0x80000048  }
0xb3: {  	_ =	swait.ge [sflag:s29], $0x1  }
0xb4: {  	[sflag:s29] =	ssyncadd.s32 $0xFFFFFFFF  }
0xb5: {  	_ =	strace $0x90000048  }
0xb6: {  	_ =	sfence  }
0xb7: {  	s30 =	sld [smem:$0x0];
	_ =	sdelay $0x2  }
0xb8: {  	s31 =	sshll.u32 s1, $0xD;
	s1 =	sshrl.u32 s1, $0x2  }
0xb9: {  	s3 =	sand.u32 $0x4000, s31;
	s1 =	sadd.s32 s1, s30  }
0xba: {  	s0 =	sor.u32 s3, s0;
	s1 =	sshll.u32 s1, $0x11  }
0xbb: {  	s0 =	sor.u32 s1, s0  }
0xbc: {  	s0 =	sadd.s32 $0x8F2B, s0  }
0xbd: {  	[sflag:s0] =	ssyncadd.remote.s32 $0x1  }
0xbe: {  	_ =	sfence.sel $0xFFFF  }
0xbf: {  	[dreg:$0x0] =	wrdreg $0xFFFFFFFF;
	(pc) =	sbr.abs _section_cstart, $3  }
0xc0: {  	[dreg:$0x1] =	wrdreg $0xFFFFFFFF  }
0xc1: {  	_ =	task.clear_ibuf [dreg:s7], $0x2FFFF;
	_ =	strace $0x9FFFFFFF  }
0xc2: {  	(tm) =	ssettm $0x7FFFFFFF  }
0xc3: {  	_ =	shalt  }
tec
execute0_lowered:
.L_overlay_start_1:
0x0: {  	(tag) =	ssettag $0x1  }
0x1: {  	s4 =	rddreg [dreg:$0x0]  }
0x2: {  	s5 =	rddreg [dreg:$0x1]  }
0x3: {  	s0 =	rddreg [dreg:$0x2];
	s2 =	simm.s32 $0x0;
	s3 =	srdreg.scid  }
0x4: {  	s1 =	stileid.u32;
	s10 =	simm.s32 $0x4200;
	s11 =	simm.s32 $0x100  }
0x5: {  	s12 =	simm.s32 $0x8200;
	s13 =	simm.s32 $0x180;
	s14 =	simm.s32 $0xC200  }
0x6: {  	s15 =	simm.s32 $0x1;
	s16 =	simm.s32 $0x0;
	s6 =	sand.u32 $0x1, s3  }
0x7: {  	[smem:$0x7FF] =	sst s2;
	s7 =	sshll.u32 s1, $0xA;
	s8 =	sshll.u32 s6, $0x9  }
0x8: {  	s3 =	sadd.s32 $0xF42A00, s4;
	s6 =	ssub.s32 $0x2, s6;
	s7 =	sor.u32 s8, s7  }
0x9: {  	_ =	strace $0x80000047;
	s9 =	sshrl.u32 s6, $0x1;
	s8 =	sshll.u32 s7, $0x4  }
0xa: {  	s7 =	sshrl.u32 s7, $0x3;
	s6 =	ssub.s32 s6, s9;
	s9 =	simm.s32 $0x200  }
0xb: {  	s8 =	sadd.s32 s8, s4;
	s4 =	sadd.s32 s5, s7;
	s6 =	smax.u32 s6, $0x1  }
0xc: {  	s7 =	simm.s32 $0x2;
	s5 =	sadd.s32 $0x600, s8;
	s8 =	simm.s32 $0x80  }
.LBB2_1:
0xd: {  	[tilespmem:s2], [sflag:$0x2] =	stream.linear.gather [hbm4b:s4+s2], $0x200, $0x38;
	[tilespmem:$0x10200] =	vst v63  }
0xe: {  	_ =	swait.ge [sflag:s7], $0x200  }
0xf: {  	[sflag:s7] =	ssyncset.done $0x0  }
0x10: {  	s17 =	simm.s32 $0x0;
	s18 =	simm.s32 $0x40;
	[sflag:s7] =	ssyncadd.s32 $0xFFFFFE00  }
.LBB2_2:
0x11: {  	p0 =	sne.s32 s18, $0x7C0;
	v0 =	vld [tilespmem:s17+$0x0];
	_ =	sdelay $0x1  }
.Ltmp0:
0x12: {  	(pc) =	sbr.rel @p0 .LBB2_2-.Ltmp0, $3  }
0x13: {  	_ =	sdelay $0x1  }
0x14: {  	v0 =	vshra.s32 v0, $0x1  }
0x15: {  	[tilespmem:s17+$0x0] =	vst v0;
	s17 =	sshra.s32 s18, $0x2;
	s18 =	sadd.s32 $0x40, s18  }
0x16: {  	v0 =	vld [tilespmem:s17+$0x0];
	_ =	sdelay $0x4  }
0x17: {  	v0 =	vshra.s32 v0, $0x1  }
0x18: {  	[tilespmem:s17+$0x0] =	vst v0  }
0x19: {  	[tilespmem:s9], [sflag:$0x1] =	stream.indirect.gather [hbm4b:s3+s8], $0x80, s2, s8, $0xb8;
	[tilespmem:$0x10200] =	vst v63  }
0x1a: {  	_ = 	snop  }
0x1b: {  	[tilespmem:s10], [sflag:$0x1] =	stream.indirect.gather [hbm4b:s3+s8], $0x80, s8, s8, $0xb8;
	[tilespmem:$0x10200] =	vst v63  }
0x1c: {  	_ = 	snop  }
0x1d: {  	[tilespmem:s12], [sflag:$0x1] =	stream.indirect.gather [hbm4b:s3+s8], $0x80, s11, s8, $0xb8;
	[tilespmem:$0x10200] =	vst v63  }
0x1e: {  	_ = 	snop  }
0x1f: {  	[tilespmem:s14], [sflag:$0x1] =	stream.indirect.gather [hbm4b:s3+s8], $0x80, s13, s8, $0xb8;
	[tilespmem:$0x10200] =	vst v63  }
0x20: {  	_ =	swait.ge [sflag:s15], $0x4000  }
0x21: {  	[sflag:s15] =	ssyncset.done $0x0  }
0x22: {  	[sflag:s15] =	ssyncadd.s32 $0xFFFFC000  }
0x23: {  	_ =	swait.ge [sflag:s15], $0x4000  }
0x24: {  	[sflag:s15] =	ssyncset.done $0x0  }
0x25: {  	[sflag:s15] =	ssyncadd.s32 $0xFFFFC000  }
0x26: {  	_ =	swait.ge [sflag:s15], $0x4000  }
0x27: {  	[sflag:s15] =	ssyncset.done $0x0  }
0x28: {  	[sflag:s15] =	ssyncadd.s32 $0xFFFFC000  }
0x29: {  	s16 =	sadd.s32 $0x1, s16;
	_ =	swait.ge [sflag:s15], $0x4000  }
0x2a: {  	p0 =	sne.s32 s16, s6;
	[sflag:s15] =	ssyncset.done $0x0  }
.Ltmp1:
0x2b: {  	[sflag:s15] =	ssyncadd.s32 $0xFFFFC000;
	(pc) =	sbr.rel @p0 .LBB2_1-.Ltmp1, $4  }
0x2c: {  	[hbm4b:s5+s2] =	stream.linear.scatter [tilespmem:s9], [sflag:$0x2], $0x10000, $0x38;
	[tilespmem:$0x10200] =	vst v63  }
0x2d: {  	_ =	swait.ge [sflag:s7], $0x10000  }
0x2e: {  	[sflag:s7] =	ssyncset.done $0x0  }
0x2f: {  	[sflag:s7] =	ssyncadd.s32 $0xFFFF0000  }
0x30: {  	_ =	sfence.sel $0x180000  }
0x31: {  	[bflag:$0x0] =	sbarrier.arrive $0xFFFF  }
0x32: {  	p0 =	sne.s32 s1, $0x0;
	_ =	strace $0x90000047  }
0x33: {  	s0 =	sadd.s32 @!p0 $0x100000, s0;
	[bflag:$0x2] =	sbarrier.arrive $0xFFFF  }
0x34: {  	[sflag:s0] =	ssyncadd.tile.s32 @!p0 $0x1;
	_ =	shalt  }
.Lfunc_end2:
_tile_overlayer_lowered:
.L_overlay_start_2:
0x35: {  	(tag) =	ssettag $0x2  }
0x36: {  	s0 =	rddreg [dreg:$0x0];
	s2 =	stileid.u32  }
0x37: {  	s1 =	rddreg [dreg:$0x1];
	p0 =	sne.s32 s2, $0x0  }
0x38: {  	s3 =	rddreg [dreg:$0x2];
	[bflag:$0x3] =	sbarrier.arrive $0xFFFF;
	s2 =	simm.s32 @!p0 $0x1C02  }
0x39: {  	[timem:s3], [sflag:s2] =	dma.local @!p0 [hbm:s0], s1  }
0x3a: {  	s0 =	simm.s32 @!p0 $0x2  }
0x3b: {  	_ =	swait.ge @!p0 [sflag:s0], s1  }
0x3c: {  	s1 =	ssub.s32 @!p0 $0x0, s1;
	[sflag:s0] =	ssyncset.done @!p0 $0x0  }
0x3d: {  	[sflag:s0] =	ssyncadd.s32 @!p0 s1  }
0x3e: {  	[bflag:$0x3] =	sbarrier.arrive $0xFFFF  }
0x3f: {  	_ =	shalt  }

</sc_bundles>
